<compile_context>
chip_gen: v7x
topology: tpu7x:2x2x1
jax: 0.10.2.dev20260603
libtpu: 0.0.44.dev20260713+nightly
codegen_flags: <defaults>
</compile_context>

<pallas_src>
import jax
import jax.numpy as jnp
from jax import lax
from jax.experimental import pallas as pl
from jax.experimental.pallas import tpu as pltpu
from jax.experimental.pallas import tpu_sc as plsc
from jax.experimental.layout import Layout, with_layout_constraint

ROWS, COLS = 16384, 50
TOTAL = ROWS * COLS
DIM = 32
NC, NS = 2, 16
NW = NC * NS
B_PER_W = TOTAL // NW
CHUNK = 128
N_CHUNK = B_PER_W // CHUNK
RING = 8
DEPTH = 4


def _body(x_hbm, table_hbm, out_hbm, idx_v, rows_v, gsem, osem):
    wid = lax.axis_index("s") * NC + lax.axis_index("c")
    row0 = wid * N_CHUNK

    pltpu.sync_copy(x_hbm.at[pl.ds(row0, N_CHUNK)], idx_v)

    def start_gather(c, buf):
        pltpu.async_copy(table_hbm.at[idx_v.at[c]], rows_v.at[buf], gsem)

    def wait_gather(buf):
        pltpu.make_async_copy(table_hbm.at[idx_v.at[0]], rows_v.at[buf], gsem).wait()

    def start_out(c, buf):
        dst = out_hbm.at[pl.ds((row0 + c) * CHUNK, CHUNK)]
        pltpu.async_copy(rows_v.at[buf], dst, osem)

    def wait_out(buf):
        dst = out_hbm.at[pl.ds(0, CHUNK)]
        pltpu.make_async_copy(rows_v.at[buf], dst, osem).wait()

    for b in range(DEPTH):
        start_gather(b, b)

    def loop(c, _):
        buf = lax.rem(c, RING)
        wait_gather(buf)
        start_out(c, buf)
        nc = c + DEPTH

        @pl.when(nc < N_CHUNK)
        def _():
            @pl.when(nc >= RING)
            def _():
                wait_out(buf)

            start_gather(nc, lax.rem(nc, RING))

        return 0

    lax.fori_loop(0, N_CHUNK, loop, 0)

    for b in range(RING):
        wait_out(b)


@jax.jit
def kernel(x, table):
    lin3 = Layout(major_to_minor=(0, 1, 2))
    x_flat = x.reshape(TOTAL // CHUNK, CHUNK).astype(jnp.int32)
    mesh = plsc.VectorSubcoreMesh(core_axis_name="c", subcore_axis_name="s")
    out = pl.kernel(
        _body,
        out_type=jax.ShapeDtypeStruct((TOTAL, DIM), jnp.float32),
        mesh=mesh,
        scratch_types=[
            pltpu.VMEM((N_CHUNK, CHUNK), jnp.int32),
            pltpu.VMEM((RING, CHUNK, DIM), jnp.float32),
            pltpu.SemaphoreType.DMA,
            pltpu.SemaphoreType.DMA,
        ],
        compiler_params=pltpu.CompilerParams(use_tc_tiling_on_sc=False),
    )(x_flat, table)
    out = out.reshape(ROWS, COLS, DIM)
    return with_layout_constraint(out, lin3)

# --- scband reference (transcript-rebuilt; emitter-appended) ---
"""Pipeline reference for scband-embedding-12824772346447 (READ-ONLY COPY).

The authoritative reference and input builder live on the scoring server;
editing this copy changes nothing except your own understanding.
"""

import jax, jax.numpy as jnp
import numpy as np

TOTAL_LOCATIONS = 1000000
EMBEDDING_DIM = 32

def setup_inputs(seed: int = 0) -> dict:
    key = jax.random.key(seed)
    k1, k2 = jax.random.split(key)
    x = jax.random.randint(k1, (16384, 50), 0, TOTAL_LOCATIONS, dtype=jnp.int64 if jax.config.jax_enable_x64 else jnp.int32)
    table = jax.random.normal(k2, (TOTAL_LOCATIONS, EMBEDDING_DIM), dtype=jnp.float32)
    return {"x": x, "table": table}

def reference(x, table):
    # nn.Embedding forward: row gather from the embedding table
    return jnp.take(table, x, axis=0)

if __name__ == "__main__":
    import jax
    _d = setup_inputs()
    print(jax.jit(kernel)(*tuple(_d.values())))

</pallas_src>

<mosaic_0001>
#map = affine_map<(d0, d1) -> (0, 0)>
module attributes {stable_mosaic.version = 14 : i64} {
  func.func @_body(%arg0: i32, %arg1: i32, %arg2: memref<6400x128xi32, #tpu.memory_space<hbm>>, %arg3: memref<1000000x32xf32, #tpu.memory_space<hbm>>, %arg4: memref<819200x32xf32, #tpu.memory_space<hbm>>, %arg5: memref<200x128xi32, #tpu.memory_space<vmem>>, %arg6: memref<8x128x32xf32, #tpu.memory_space<vmem>>, %arg7: memref<!tpu.dma_semaphore, #tpu.memory_space<semaphore_mem>>, %arg8: memref<!tpu.dma_semaphore, #tpu.memory_space<semaphore_mem>>) attributes {dimension_semantics = [#tpu.dimension_semantics<core_parallel>, #tpu.dimension_semantics<subcore_parallel>], iteration_bounds = array<i64: 2, 16>, scalar_prefetch = 0 : i64, scratch_operands = 4 : i64, tpu.core_type = #tpu.core_type<sc_vector_subcore>, window_params = [{transform_indices = #map}, {transform_indices = #map}, {transform_indices = #map}]} {
    %mul3A = arith.constant 2 : i32
    %mul3A_0 = arith.muli %arg1, %mul3A : i32
    %add3A = arith.addi %mul3A_0, %arg0 : i32
    %mul3A_1 = arith.constant 200 : i32
    %mul3A_2 = arith.muli %add3A, %mul3A_1 : i32
    "tpu.region"() ({
      %run_scoped3A = tpu.sem_alloc : memref<!tpu.dma_semaphore, #tpu.memory_space<semaphore_mem>>
      %dma_start3A_175 = arith.constant 0 : i32
      %dma_start3A_176 = tpu.memref_slice %arg2[%mul3A_2, %dma_start3A_175] : memref<6400x128xi32, #tpu.memory_space<hbm>> -> memref<200x128xi32, #tpu.memory_space<hbm>>
      %dma_start3A_177 = arith.constant 0 : i32
      %dma_start3A_178 = tpu.memref_slice %arg2[%mul3A_2, %dma_start3A_177] : memref<6400x128xi32, #tpu.memory_space<hbm>> -> memref<200x128xi32, #tpu.memory_space<hbm>>
      tpu.enqueue_dma source(%dma_start3A_178 : memref<200x128xi32, #tpu.memory_space<hbm>>) target(%arg5 : memref<200x128xi32, #tpu.memory_space<vmem>>) target_semaphore(%run_scoped3A : memref<!tpu.dma_semaphore, #tpu.memory_space<semaphore_mem>>)
      %dma_wait3A_179 = arith.constant 0 : i32
      %dma_wait3A_180 = tpu.memref_slice %arg2[%mul3A_2, %dma_wait3A_179] : memref<6400x128xi32, #tpu.memory_space<hbm>> -> memref<200x128xi32, #tpu.memory_space<hbm>>
      %dma_wait3A_181 = arith.constant 0 : i32
      %dma_wait3A_182 = tpu.memref_slice %arg2[%mul3A_2, %dma_wait3A_181] : memref<6400x128xi32, #tpu.memory_space<hbm>> -> memref<200x128xi32, #tpu.memory_space<hbm>>
      tpu.wait_dma2 semaphore(%run_scoped3A : memref<!tpu.dma_semaphore, #tpu.memory_space<semaphore_mem>>) src(%dma_wait3A_182 : memref<200x128xi32, #tpu.memory_space<hbm>>) dst(%arg5 : memref<200x128xi32, #tpu.memory_space<vmem>>)
      tpu.yield
    }) : () -> ()
    %dma_start3A = arith.constant 0 : i32
    %dma_start3A_3 = arith.constant 0 : i32
    %dma_start3A_4 = arith.constant 0 : i32
    %dma_start3A_5 = arith.constant 0 : i32
    %dma_start3A_6 = tpu.memref_slice %arg6[%dma_start3A_3, %dma_start3A_4, %dma_start3A_5] : memref<8x128x32xf32, #tpu.memory_space<vmem>> -> memref<1x128x32xf32, #tpu.memory_space<vmem>>
    %dma_start3A_7 = tpu.memref_squeeze %dma_start3A_6 : memref<1x128x32xf32, #tpu.memory_space<vmem>> -> memref<128x32xf32, #tpu.memory_space<vmem>>
    %dma_start3A_8 = arith.constant 0 : i32
    %dma_start3A_9 = tpu.memref_slice %arg5[%dma_start3A, %dma_start3A_8] : memref<200x128xi32, #tpu.memory_space<vmem>> -> memref<1x128xi32, #tpu.memory_space<vmem>>
    %dma_start3A_10 = tpu.memref_squeeze %dma_start3A_9 : memref<1x128xi32, #tpu.memory_space<vmem>> -> memref<128xi32, #tpu.memory_space<vmem>>
    %dma_start3A_11 = arith.constant 0 : i32
    %dma_start3A_12 = arith.constant 0 : i32
    %dma_start3A_13 = tpu.memref_slice %arg3[%dma_start3A_11, %dma_start3A_12] : memref<1000000x32xf32, #tpu.memory_space<hbm>> -> memref<1000000x32xf32, #tpu.memory_space<hbm>>
    tpu.enqueue_indirect_dma source(%dma_start3A_13 : memref<1000000x32xf32, #tpu.memory_space<hbm>>) target(%dma_start3A_7 : memref<128x32xf32, #tpu.memory_space<vmem>>) offsets(%dma_start3A_10 : memref<128xi32, #tpu.memory_space<vmem>>) semaphore(%arg7 : memref<!tpu.dma_semaphore, #tpu.memory_space<semaphore_mem>>)
    %dma_start3A_14 = arith.constant 1 : i32
    %dma_start3A_15 = arith.constant 1 : i32
    %dma_start3A_16 = arith.constant 0 : i32
    %dma_start3A_17 = arith.constant 0 : i32
    %dma_start3A_18 = tpu.memref_slice %arg6[%dma_start3A_15, %dma_start3A_16, %dma_start3A_17] : memref<8x128x32xf32, #tpu.memory_space<vmem>> -> memref<1x128x32xf32, #tpu.memory_space<vmem>>
    %dma_start3A_19 = tpu.memref_squeeze %dma_start3A_18 : memref<1x128x32xf32, #tpu.memory_space<vmem>> -> memref<128x32xf32, #tpu.memory_space<vmem>>
    %dma_start3A_20 = arith.constant 0 : i32
    %dma_start3A_21 = tpu.memref_slice %arg5[%dma_start3A_14, %dma_start3A_20] : memref<200x128xi32, #tpu.memory_space<vmem>> -> memref<1x128xi32, #tpu.memory_space<vmem>>
    %dma_start3A_22 = tpu.memref_squeeze %dma_start3A_21 : memref<1x128xi32, #tpu.memory_space<vmem>> -> memref<128xi32, #tpu.memory_space<vmem>>
    %dma_start3A_23 = arith.constant 0 : i32
    %dma_start3A_24 = arith.constant 0 : i32
    %dma_start3A_25 = tpu.memref_slice %arg3[%dma_start3A_23, %dma_start3A_24] : memref<1000000x32xf32, #tpu.memory_space<hbm>> -> memref<1000000x32xf32, #tpu.memory_space<hbm>>
    tpu.enqueue_indirect_dma source(%dma_start3A_25 : memref<1000000x32xf32, #tpu.memory_space<hbm>>) target(%dma_start3A_19 : memref<128x32xf32, #tpu.memory_space<vmem>>) offsets(%dma_start3A_22 : memref<128xi32, #tpu.memory_space<vmem>>) semaphore(%arg7 : memref<!tpu.dma_semaphore, #tpu.memory_space<semaphore_mem>>)
    %dma_start3A_26 = arith.constant 2 : i32
    %dma_start3A_27 = arith.constant 2 : i32
    %dma_start3A_28 = arith.constant 0 : i32
    %dma_start3A_29 = arith.constant 0 : i32
    %dma_start3A_30 = tpu.memref_slice %arg6[%dma_start3A_27, %dma_start3A_28, %dma_start3A_29] : memref<8x128x32xf32, #tpu.memory_space<vmem>> -> memref<1x128x32xf32, #tpu.memory_space<vmem>>
    %dma_start3A_31 = tpu.memref_squeeze %dma_start3A_30 : memref<1x128x32xf32, #tpu.memory_space<vmem>> -> memref<128x32xf32, #tpu.memory_space<vmem>>
    %dma_start3A_32 = arith.constant 0 : i32
    %dma_start3A_33 = tpu.memref_slice %arg5[%dma_start3A_26, %dma_start3A_32] : memref<200x128xi32, #tpu.memory_space<vmem>> -> memref<1x128xi32, #tpu.memory_space<vmem>>
    %dma_start3A_34 = tpu.memref_squeeze %dma_start3A_33 : memref<1x128xi32, #tpu.memory_space<vmem>> -> memref<128xi32, #tpu.memory_space<vmem>>
    %dma_start3A_35 = arith.constant 0 : i32
    %dma_start3A_36 = arith.constant 0 : i32
    %dma_start3A_37 = tpu.memref_slice %arg3[%dma_start3A_35, %dma_start3A_36] : memref<1000000x32xf32, #tpu.memory_space<hbm>> -> memref<1000000x32xf32, #tpu.memory_space<hbm>>
    tpu.enqueue_indirect_dma source(%dma_start3A_37 : memref<1000000x32xf32, #tpu.memory_space<hbm>>) target(%dma_start3A_31 : memref<128x32xf32, #tpu.memory_space<vmem>>) offsets(%dma_start3A_34 : memref<128xi32, #tpu.memory_space<vmem>>) semaphore(%arg7 : memref<!tpu.dma_semaphore, #tpu.memory_space<semaphore_mem>>)
    %dma_start3A_38 = arith.constant 3 : i32
    %dma_start3A_39 = arith.constant 3 : i32
    %dma_start3A_40 = arith.constant 0 : i32
    %dma_start3A_41 = arith.constant 0 : i32
    %dma_start3A_42 = tpu.memref_slice %arg6[%dma_start3A_39, %dma_start3A_40, %dma_start3A_41] : memref<8x128x32xf32, #tpu.memory_space<vmem>> -> memref<1x128x32xf32, #tpu.memory_space<vmem>>
    %dma_start3A_43 = tpu.memref_squeeze %dma_start3A_42 : memref<1x128x32xf32, #tpu.memory_space<vmem>> -> memref<128x32xf32, #tpu.memory_space<vmem>>
    %dma_start3A_44 = arith.constant 0 : i32
    %dma_start3A_45 = tpu.memref_slice %arg5[%dma_start3A_38, %dma_start3A_44] : memref<200x128xi32, #tpu.memory_space<vmem>> -> memref<1x128xi32, #tpu.memory_space<vmem>>
    %dma_start3A_46 = tpu.memref_squeeze %dma_start3A_45 : memref<1x128xi32, #tpu.memory_space<vmem>> -> memref<128xi32, #tpu.memory_space<vmem>>
    %dma_start3A_47 = arith.constant 0 : i32
    %dma_start3A_48 = arith.constant 0 : i32
    %dma_start3A_49 = tpu.memref_slice %arg3[%dma_start3A_47, %dma_start3A_48] : memref<1000000x32xf32, #tpu.memory_space<hbm>> -> memref<1000000x32xf32, #tpu.memory_space<hbm>>
    tpu.enqueue_indirect_dma source(%dma_start3A_49 : memref<1000000x32xf32, #tpu.memory_space<hbm>>) target(%dma_start3A_43 : memref<128x32xf32, #tpu.memory_space<vmem>>) offsets(%dma_start3A_46 : memref<128xi32, #tpu.memory_space<vmem>>) semaphore(%arg7 : memref<!tpu.dma_semaphore, #tpu.memory_space<semaphore_mem>>)
    %scan3A = arith.constant 0 : i32
    %scan3A_50 = arith.constant 0 : i32
    %scan3A_51 = arith.constant 200 : i32
    %scan3A_52 = arith.addi %scan3A_50, %scan3A_51 : i32
    %scan3A_53 = arith.constant 1 : i32
    %scan3A_54 = scf.for %scan3A_175 = %scan3A_50 to %scan3A_52 step %scan3A_53 iter_args(%scan3A_176 = %scan3A) -> (i32)  : i32 {
      %rem3A = arith.constant 8 : i32
      %rem3A_177 = arith.remsi %scan3A_175, %rem3A : i32
      %dma_wait3A_178 = arith.constant 0 : i32
      %dma_wait3A_179 = arith.constant 0 : i32
      %dma_wait3A_180 = arith.constant 0 : i32
      %dma_wait3A_181 = tpu.memref_slice %arg6[%rem3A_177, %dma_wait3A_179, %dma_wait3A_180] : memref<8x128x32xf32, #tpu.memory_space<vmem>> -> memref<1x128x32xf32, #tpu.memory_space<vmem>>
      %dma_wait3A_182 = tpu.memref_squeeze %dma_wait3A_181 : memref<1x128x32xf32, #tpu.memory_space<vmem>> -> memref<128x32xf32, #tpu.memory_space<vmem>>
      %dma_wait3A_183 = arith.constant 0 : i32
      %dma_wait3A_184 = tpu.memref_slice %arg5[%dma_wait3A_178, %dma_wait3A_183] : memref<200x128xi32, #tpu.memory_space<vmem>> -> memref<1x128xi32, #tpu.memory_space<vmem>>
      %dma_wait3A_185 = tpu.memref_squeeze %dma_wait3A_184 : memref<1x128xi32, #tpu.memory_space<vmem>> -> memref<128xi32, #tpu.memory_space<vmem>>
      %dma_wait3A_186 = arith.constant 0 : i32
      %dma_wait3A_187 = arith.constant 0 : i32
      %dma_wait3A_188 = tpu.memref_slice %arg3[%dma_wait3A_186, %dma_wait3A_187] : memref<1000000x32xf32, #tpu.memory_space<hbm>> -> memref<1000000x32xf32, #tpu.memory_space<hbm>>
      tpu.wait_indirect_dma semaphore(%arg7 : memref<!tpu.dma_semaphore, #tpu.memory_space<semaphore_mem>>) src(%dma_wait3A_188 : memref<1000000x32xf32, #tpu.memory_space<hbm>>) dst(%dma_wait3A_182 : memref<128x32xf32, #tpu.memory_space<vmem>>)
      %add3A_189 = arith.addi %mul3A_2, %scan3A_175 : i32
      %mul3A_190 = arith.constant 128 : i32
      %mul3A_191 = arith.muli %add3A_189, %mul3A_190 : i32
      %dma_start3A_192 = arith.constant 0 : i32
      %dma_start3A_193 = arith.constant 0 : i32
      %dma_start3A_194 = tpu.memref_slice %arg6[%rem3A_177, %dma_start3A_192, %dma_start3A_193] : memref<8x128x32xf32, #tpu.memory_space<vmem>> -> memref<1x128x32xf32, #tpu.memory_space<vmem>>
      %dma_start3A_195 = tpu.memref_squeeze %dma_start3A_194 : memref<1x128x32xf32, #tpu.memory_space<vmem>> -> memref<128x32xf32, #tpu.memory_space<vmem>>
      %dma_start3A_196 = arith.constant 0 : i32
      %dma_start3A_197 = tpu.memref_slice %arg4[%mul3A_191, %dma_start3A_196] : memref<819200x32xf32, #tpu.memory_space<hbm>> -> memref<128x32xf32, #tpu.memory_space<hbm>>
      %dma_start3A_198 = arith.constant 0 : i32
      %dma_start3A_199 = tpu.memref_slice %arg4[%mul3A_191, %dma_start3A_198] : memref<819200x32xf32, #tpu.memory_space<hbm>> -> memref<128x32xf32, #tpu.memory_space<hbm>>
      %dma_start3A_200 = arith.constant 0 : i32
      %dma_start3A_201 = arith.constant 0 : i32
      %dma_start3A_202 = tpu.memref_slice %arg6[%rem3A_177, %dma_start3A_200, %dma_start3A_201] : memref<8x128x32xf32, #tpu.memory_space<vmem>> -> memref<1x128x32xf32, #tpu.memory_space<vmem>>
      %dma_start3A_203 = tpu.memref_squeeze %dma_start3A_202 : memref<1x128x32xf32, #tpu.memory_space<vmem>> -> memref<128x32xf32, #tpu.memory_space<vmem>>
      tpu.enqueue_dma source(%dma_start3A_203 : memref<128x32xf32, #tpu.memory_space<vmem>>) target(%dma_start3A_199 : memref<128x32xf32, #tpu.memory_space<hbm>>) target_semaphore(%arg8 : memref<!tpu.dma_semaphore, #tpu.memory_space<semaphore_mem>>)
      %add3A_204 = arith.constant 4 : i32
      %add3A_205 = arith.addi %scan3A_175, %add3A_204 : i32
      %lt3A = arith.constant 200 : i32
      %lt3A_206 = arith.cmpi slt, %add3A_205, %lt3A : i32
      %convert_element_type3A = arith.extui %lt3A_206 : i1 to i32
      %cond3A = arith.constant 0 : i32
      %cond3A_207 = arith.cmpi ne, %convert_element_type3A, %cond3A : i32
      scf.if %cond3A_207 {
        %ge3A = arith.constant 8 : i32
        %ge3A_209 = arith.cmpi sge, %add3A_205, %ge3A : i32
        %convert_element_type3A_210 = arith.extui %ge3A_209 : i1 to i32
        %cond3A_211 = arith.constant 0 : i32
        %cond3A_212 = arith.cmpi ne, %convert_element_type3A_210, %cond3A_211 : i32
        scf.if %cond3A_212 {
          %dma_wait3A_225 = arith.constant 0 : i32
          %dma_wait3A_226 = arith.constant 0 : i32
          %dma_wait3A_227 = tpu.memref_slice %arg6[%rem3A_177, %dma_wait3A_225, %dma_wait3A_226] : memref<8x128x32xf32, #tpu.memory_space<vmem>> -> memref<1x128x32xf32, #tpu.memory_space<vmem>>
          %dma_wait3A_228 = tpu.memref_squeeze %dma_wait3A_227 : memref<1x128x32xf32, #tpu.memory_space<vmem>> -> memref<128x32xf32, #tpu.memory_space<vmem>>
          %dma_wait3A_229 = arith.constant 0 : i32
          %dma_wait3A_230 = arith.constant 0 : i32
          %dma_wait3A_231 = tpu.memref_slice %arg4[%dma_wait3A_229, %dma_wait3A_230] : memref<819200x32xf32, #tpu.memory_space<hbm>> -> memref<128x32xf32, #tpu.memory_space<hbm>>
          %dma_wait3A_232 = arith.constant 0 : i32
          %dma_wait3A_233 = arith.constant 0 : i32
          %dma_wait3A_234 = tpu.memref_slice %arg4[%dma_wait3A_232, %dma_wait3A_233] : memref<819200x32xf32, #tpu.memory_space<hbm>> -> memref<128x32xf32, #tpu.memory_space<hbm>>
          %dma_wait3A_235 = arith.constant 0 : i32
          %dma_wait3A_236 = arith.constant 0 : i32
          %dma_wait3A_237 = tpu.memref_slice %arg6[%rem3A_177, %dma_wait3A_235, %dma_wait3A_236] : memref<8x128x32xf32, #tpu.memory_space<vmem>> -> memref<1x128x32xf32, #tpu.memory_space<vmem>>
          %dma_wait3A_238 = tpu.memref_squeeze %dma_wait3A_237 : memref<1x128x32xf32, #tpu.memory_space<vmem>> -> memref<128x32xf32, #tpu.memory_space<vmem>>
          tpu.wait_dma2 semaphore(%arg8 : memref<!tpu.dma_semaphore, #tpu.memory_space<semaphore_mem>>) src(%dma_wait3A_238 : memref<128x32xf32, #tpu.memory_space<vmem>>) dst(%dma_wait3A_234 : memref<128x32xf32, #tpu.memory_space<hbm>>)
        } else {
        }
        %rem3A_213 = arith.constant 8 : i32
        %rem3A_214 = arith.remsi %add3A_205, %rem3A_213 : i32
        %dma_start3A_215 = arith.constant 0 : i32
        %dma_start3A_216 = arith.constant 0 : i32
        %dma_start3A_217 = tpu.memref_slice %arg6[%rem3A_214, %dma_start3A_215, %dma_start3A_216] : memref<8x128x32xf32, #tpu.memory_space<vmem>> -> memref<1x128x32xf32, #tpu.memory_space<vmem>>
        %dma_start3A_218 = tpu.memref_squeeze %dma_start3A_217 : memref<1x128x32xf32, #tpu.memory_space<vmem>> -> memref<128x32xf32, #tpu.memory_space<vmem>>
        %dma_start3A_219 = arith.constant 0 : i32
        %dma_start3A_220 = tpu.memref_slice %arg5[%add3A_205, %dma_start3A_219] : memref<200x128xi32, #tpu.memory_space<vmem>> -> memref<1x128xi32, #tpu.memory_space<vmem>>
        %dma_start3A_221 = tpu.memref_squeeze %dma_start3A_220 : memref<1x128xi32, #tpu.memory_space<vmem>> -> memref<128xi32, #tpu.memory_space<vmem>>
        %dma_start3A_222 = arith.constant 0 : i32
        %dma_start3A_223 = arith.constant 0 : i32
        %dma_start3A_224 = tpu.memref_slice %arg3[%dma_start3A_222, %dma_start3A_223] : memref<1000000x32xf32, #tpu.memory_space<hbm>> -> memref<1000000x32xf32, #tpu.memory_space<hbm>>
        tpu.enqueue_indirect_dma source(%dma_start3A_224 : memref<1000000x32xf32, #tpu.memory_space<hbm>>) target(%dma_start3A_218 : memref<128x32xf32, #tpu.memory_space<vmem>>) offsets(%dma_start3A_221 : memref<128xi32, #tpu.memory_space<vmem>>) semaphore(%arg7 : memref<!tpu.dma_semaphore, #tpu.memory_space<semaphore_mem>>)
      } else {
      }
      %scan3A_208 = arith.constant 0 : i32
      scf.yield %scan3A_208 : i32
    }
    %scan3A_55 = arith.constant 200 : i32
    %dma_wait3A = arith.constant 0 : i32
    %dma_wait3A_56 = arith.constant 0 : i32
    %dma_wait3A_57 = arith.constant 0 : i32
    %dma_wait3A_58 = tpu.memref_slice %arg6[%dma_wait3A, %dma_wait3A_56, %dma_wait3A_57] : memref<8x128x32xf32, #tpu.memory_space<vmem>> -> memref<1x128x32xf32, #tpu.memory_space<vmem>>
    %dma_wait3A_59 = tpu.memref_squeeze %dma_wait3A_58 : memref<1x128x32xf32, #tpu.memory_space<vmem>> -> memref<128x32xf32, #tpu.memory_space<vmem>>
    %dma_wait3A_60 = arith.constant 0 : i32
    %dma_wait3A_61 = arith.constant 0 : i32
    %dma_wait3A_62 = tpu.memref_slice %arg4[%dma_wait3A_60, %dma_wait3A_61] : memref<819200x32xf32, #tpu.memory_space<hbm>> -> memref<128x32xf32, #tpu.memory_space<hbm>>
    %dma_wait3A_63 = arith.constant 0 : i32
    %dma_wait3A_64 = arith.constant 0 : i32
    %dma_wait3A_65 = tpu.memref_slice %arg4[%dma_wait3A_63, %dma_wait3A_64] : memref<819200x32xf32, #tpu.memory_space<hbm>> -> memref<128x32xf32, #tpu.memory_space<hbm>>
    %dma_wait3A_66 = arith.constant 0 : i32
    %dma_wait3A_67 = arith.constant 0 : i32
    %dma_wait3A_68 = tpu.memref_slice %arg6[%dma_wait3A, %dma_wait3A_66, %dma_wait3A_67] : memref<8x128x32xf32, #tpu.memory_space<vmem>> -> memref<1x128x32xf32, #tpu.memory_space<vmem>>
    %dma_wait3A_69 = tpu.memref_squeeze %dma_wait3A_68 : memref<1x128x32xf32, #tpu.memory_space<vmem>> -> memref<128x32xf32, #tpu.memory_space<vmem>>
    tpu.wait_dma2 semaphore(%arg8 : memref<!tpu.dma_semaphore, #tpu.memory_space<semaphore_mem>>) src(%dma_wait3A_69 : memref<128x32xf32, #tpu.memory_space<vmem>>) dst(%dma_wait3A_65 : memref<128x32xf32, #tpu.memory_space<hbm>>)
    %dma_wait3A_70 = arith.constant 1 : i32
    %dma_wait3A_71 = arith.constant 0 : i32
    %dma_wait3A_72 = arith.constant 0 : i32
    %dma_wait3A_73 = tpu.memref_slice %arg6[%dma_wait3A_70, %dma_wait3A_71, %dma_wait3A_72] : memref<8x128x32xf32, #tpu.memory_space<vmem>> -> memref<1x128x32xf32, #tpu.memory_space<vmem>>
    %dma_wait3A_74 = tpu.memref_squeeze %dma_wait3A_73 : memref<1x128x32xf32, #tpu.memory_space<vmem>> -> memref<128x32xf32, #tpu.memory_space<vmem>>
    %dma_wait3A_75 = arith.constant 0 : i32
    %dma_wait3A_76 = arith.constant 0 : i32
    %dma_wait3A_77 = tpu.memref_slice %arg4[%dma_wait3A_75, %dma_wait3A_76] : memref<819200x32xf32, #tpu.memory_space<hbm>> -> memref<128x32xf32, #tpu.memory_space<hbm>>
    %dma_wait3A_78 = arith.constant 0 : i32
    %dma_wait3A_79 = arith.constant 0 : i32
    %dma_wait3A_80 = tpu.memref_slice %arg4[%dma_wait3A_78, %dma_wait3A_79] : memref<819200x32xf32, #tpu.memory_space<hbm>> -> memref<128x32xf32, #tpu.memory_space<hbm>>
    %dma_wait3A_81 = arith.constant 0 : i32
    %dma_wait3A_82 = arith.constant 0 : i32
    %dma_wait3A_83 = tpu.memref_slice %arg6[%dma_wait3A_70, %dma_wait3A_81, %dma_wait3A_82] : memref<8x128x32xf32, #tpu.memory_space<vmem>> -> memref<1x128x32xf32, #tpu.memory_space<vmem>>
    %dma_wait3A_84 = tpu.memref_squeeze %dma_wait3A_83 : memref<1x128x32xf32, #tpu.memory_space<vmem>> -> memref<128x32xf32, #tpu.memory_space<vmem>>
    tpu.wait_dma2 semaphore(%arg8 : memref<!tpu.dma_semaphore, #tpu.memory_space<semaphore_mem>>) src(%dma_wait3A_84 : memref<128x32xf32, #tpu.memory_space<vmem>>) dst(%dma_wait3A_80 : memref<128x32xf32, #tpu.memory_space<hbm>>)
    %dma_wait3A_85 = arith.constant 2 : i32
    %dma_wait3A_86 = arith.constant 0 : i32
    %dma_wait3A_87 = arith.constant 0 : i32
    %dma_wait3A_88 = tpu.memref_slice %arg6[%dma_wait3A_85, %dma_wait3A_86, %dma_wait3A_87] : memref<8x128x32xf32, #tpu.memory_space<vmem>> -> memref<1x128x32xf32, #tpu.memory_space<vmem>>
    %dma_wait3A_89 = tpu.memref_squeeze %dma_wait3A_88 : memref<1x128x32xf32, #tpu.memory_space<vmem>> -> memref<128x32xf32, #tpu.memory_space<vmem>>
    %dma_wait3A_90 = arith.constant 0 : i32
    %dma_wait3A_91 = arith.constant 0 : i32
    %dma_wait3A_92 = tpu.memref_slice %arg4[%dma_wait3A_90, %dma_wait3A_91] : memref<819200x32xf32, #tpu.memory_space<hbm>> -> memref<128x32xf32, #tpu.memory_space<hbm>>
    %dma_wait3A_93 = arith.constant 0 : i32
    %dma_wait3A_94 = arith.constant 0 : i32
    %dma_wait3A_95 = tpu.memref_slice %arg4[%dma_wait3A_93, %dma_wait3A_94] : memref<819200x32xf32, #tpu.memory_space<hbm>> -> memref<128x32xf32, #tpu.memory_space<hbm>>
    %dma_wait3A_96 = arith.constant 0 : i32
    %dma_wait3A_97 = arith.constant 0 : i32
    %dma_wait3A_98 = tpu.memref_slice %arg6[%dma_wait3A_85, %dma_wait3A_96, %dma_wait3A_97] : memref<8x128x32xf32, #tpu.memory_space<vmem>> -> memref<1x128x32xf32, #tpu.memory_space<vmem>>
    %dma_wait3A_99 = tpu.memref_squeeze %dma_wait3A_98 : memref<1x128x32xf32, #tpu.memory_space<vmem>> -> memref<128x32xf32, #tpu.memory_space<vmem>>
    tpu.wait_dma2 semaphore(%arg8 : memref<!tpu.dma_semaphore, #tpu.memory_space<semaphore_mem>>) src(%dma_wait3A_99 : memref<128x32xf32, #tpu.memory_space<vmem>>) dst(%dma_wait3A_95 : memref<128x32xf32, #tpu.memory_space<hbm>>)
    %dma_wait3A_100 = arith.constant 3 : i32
    %dma_wait3A_101 = arith.constant 0 : i32
    %dma_wait3A_102 = arith.constant 0 : i32
    %dma_wait3A_103 = tpu.memref_slice %arg6[%dma_wait3A_100, %dma_wait3A_101, %dma_wait3A_102] : memref<8x128x32xf32, #tpu.memory_space<vmem>> -> memref<1x128x32xf32, #tpu.memory_space<vmem>>
    %dma_wait3A_104 = tpu.memref_squeeze %dma_wait3A_103 : memref<1x128x32xf32, #tpu.memory_space<vmem>> -> memref<128x32xf32, #tpu.memory_space<vmem>>
    %dma_wait3A_105 = arith.constant 0 : i32
    %dma_wait3A_106 = arith.constant 0 : i32
    %dma_wait3A_107 = tpu.memref_slice %arg4[%dma_wait3A_105, %dma_wait3A_106] : memref<819200x32xf32, #tpu.memory_space<hbm>> -> memref<128x32xf32, #tpu.memory_space<hbm>>
    %dma_wait3A_108 = arith.constant 0 : i32
    %dma_wait3A_109 = arith.constant 0 : i32
    %dma_wait3A_110 = tpu.memref_slice %arg4[%dma_wait3A_108, %dma_wait3A_109] : memref<819200x32xf32, #tpu.memory_space<hbm>> -> memref<128x32xf32, #tpu.memory_space<hbm>>
    %dma_wait3A_111 = arith.constant 0 : i32
    %dma_wait3A_112 = arith.constant 0 : i32
    %dma_wait3A_113 = tpu.memref_slice %arg6[%dma_wait3A_100, %dma_wait3A_111, %dma_wait3A_112] : memref<8x128x32xf32, #tpu.memory_space<vmem>> -> memref<1x128x32xf32, #tpu.memory_space<vmem>>
    %dma_wait3A_114 = tpu.memref_squeeze %dma_wait3A_113 : memref<1x128x32xf32, #tpu.memory_space<vmem>> -> memref<128x32xf32, #tpu.memory_space<vmem>>
    tpu.wait_dma2 semaphore(%arg8 : memref<!tpu.dma_semaphore, #tpu.memory_space<semaphore_mem>>) src(%dma_wait3A_114 : memref<128x32xf32, #tpu.memory_space<vmem>>) dst(%dma_wait3A_110 : memref<128x32xf32, #tpu.memory_space<hbm>>)
    %dma_wait3A_115 = arith.constant 4 : i32
    %dma_wait3A_116 = arith.constant 0 : i32
    %dma_wait3A_117 = arith.constant 0 : i32
    %dma_wait3A_118 = tpu.memref_slice %arg6[%dma_wait3A_115, %dma_wait3A_116, %dma_wait3A_117] : memref<8x128x32xf32, #tpu.memory_space<vmem>> -> memref<1x128x32xf32, #tpu.memory_space<vmem>>
    %dma_wait3A_119 = tpu.memref_squeeze %dma_wait3A_118 : memref<1x128x32xf32, #tpu.memory_space<vmem>> -> memref<128x32xf32, #tpu.memory_space<vmem>>
    %dma_wait3A_120 = arith.constant 0 : i32
    %dma_wait3A_121 = arith.constant 0 : i32
    %dma_wait3A_122 = tpu.memref_slice %arg4[%dma_wait3A_120, %dma_wait3A_121] : memref<819200x32xf32, #tpu.memory_space<hbm>> -> memref<128x32xf32, #tpu.memory_space<hbm>>
    %dma_wait3A_123 = arith.constant 0 : i32
    %dma_wait3A_124 = arith.constant 0 : i32
    %dma_wait3A_125 = tpu.memref_slice %arg4[%dma_wait3A_123, %dma_wait3A_124] : memref<819200x32xf32, #tpu.memory_space<hbm>> -> memref<128x32xf32, #tpu.memory_space<hbm>>
    %dma_wait3A_126 = arith.constant 0 : i32
    %dma_wait3A_127 = arith.constant 0 : i32
    %dma_wait3A_128 = tpu.memref_slice %arg6[%dma_wait3A_115, %dma_wait3A_126, %dma_wait3A_127] : memref<8x128x32xf32, #tpu.memory_space<vmem>> -> memref<1x128x32xf32, #tpu.memory_space<vmem>>
    %dma_wait3A_129 = tpu.memref_squeeze %dma_wait3A_128 : memref<1x128x32xf32, #tpu.memory_space<vmem>> -> memref<128x32xf32, #tpu.memory_space<vmem>>
    tpu.wait_dma2 semaphore(%arg8 : memref<!tpu.dma_semaphore, #tpu.memory_space<semaphore_mem>>) src(%dma_wait3A_129 : memref<128x32xf32, #tpu.memory_space<vmem>>) dst(%dma_wait3A_125 : memref<128x32xf32, #tpu.memory_space<hbm>>)
    %dma_wait3A_130 = arith.constant 5 : i32
    %dma_wait3A_131 = arith.constant 0 : i32
    %dma_wait3A_132 = arith.constant 0 : i32
    %dma_wait3A_133 = tpu.memref_slice %arg6[%dma_wait3A_130, %dma_wait3A_131, %dma_wait3A_132] : memref<8x128x32xf32, #tpu.memory_space<vmem>> -> memref<1x128x32xf32, #tpu.memory_space<vmem>>
    %dma_wait3A_134 = tpu.memref_squeeze %dma_wait3A_133 : memref<1x128x32xf32, #tpu.memory_space<vmem>> -> memref<128x32xf32, #tpu.memory_space<vmem>>
    %dma_wait3A_135 = arith.constant 0 : i32
    %dma_wait3A_136 = arith.constant 0 : i32
    %dma_wait3A_137 = tpu.memref_slice %arg4[%dma_wait3A_135, %dma_wait3A_136] : memref<819200x32xf32, #tpu.memory_space<hbm>> -> memref<128x32xf32, #tpu.memory_space<hbm>>
    %dma_wait3A_138 = arith.constant 0 : i32
    %dma_wait3A_139 = arith.constant 0 : i32
    %dma_wait3A_140 = tpu.memref_slice %arg4[%dma_wait3A_138, %dma_wait3A_139] : memref<819200x32xf32, #tpu.memory_space<hbm>> -> memref<128x32xf32, #tpu.memory_space<hbm>>
    %dma_wait3A_141 = arith.constant 0 : i32
    %dma_wait3A_142 = arith.constant 0 : i32
    %dma_wait3A_143 = tpu.memref_slice %arg6[%dma_wait3A_130, %dma_wait3A_141, %dma_wait3A_142] : memref<8x128x32xf32, #tpu.memory_space<vmem>> -> memref<1x128x32xf32, #tpu.memory_space<vmem>>
    %dma_wait3A_144 = tpu.memref_squeeze %dma_wait3A_143 : memref<1x128x32xf32, #tpu.memory_space<vmem>> -> memref<128x32xf32, #tpu.memory_space<vmem>>
    tpu.wait_dma2 semaphore(%arg8 : memref<!tpu.dma_semaphore, #tpu.memory_space<semaphore_mem>>) src(%dma_wait3A_144 : memref<128x32xf32, #tpu.memory_space<vmem>>) dst(%dma_wait3A_140 : memref<128x32xf32, #tpu.memory_space<hbm>>)
    %dma_wait3A_145 = arith.constant 6 : i32
    %dma_wait3A_146 = arith.constant 0 : i32
    %dma_wait3A_147 = arith.constant 0 : i32
    %dma_wait3A_148 = tpu.memref_slice %arg6[%dma_wait3A_145, %dma_wait3A_146, %dma_wait3A_147] : memref<8x128x32xf32, #tpu.memory_space<vmem>> -> memref<1x128x32xf32, #tpu.memory_space<vmem>>
    %dma_wait3A_149 = tpu.memref_squeeze %dma_wait3A_148 : memref<1x128x32xf32, #tpu.memory_space<vmem>> -> memref<128x32xf32, #tpu.memory_space<vmem>>
    %dma_wait3A_150 = arith.constant 0 : i32
    %dma_wait3A_151 = arith.constant 0 : i32
    %dma_wait3A_152 = tpu.memref_slice %arg4[%dma_wait3A_150, %dma_wait3A_151] : memref<819200x32xf32, #tpu.memory_space<hbm>> -> memref<128x32xf32, #tpu.memory_space<hbm>>
    %dma_wait3A_153 = arith.constant 0 : i32
    %dma_wait3A_154 = arith.constant 0 : i32
    %dma_wait3A_155 = tpu.memref_slice %arg4[%dma_wait3A_153, %dma_wait3A_154] : memref<819200x32xf32, #tpu.memory_space<hbm>> -> memref<128x32xf32, #tpu.memory_space<hbm>>
    %dma_wait3A_156 = arith.constant 0 : i32
    %dma_wait3A_157 = arith.constant 0 : i32
    %dma_wait3A_158 = tpu.memref_slice %arg6[%dma_wait3A_145, %dma_wait3A_156, %dma_wait3A_157] : memref<8x128x32xf32, #tpu.memory_space<vmem>> -> memref<1x128x32xf32, #tpu.memory_space<vmem>>
    %dma_wait3A_159 = tpu.memref_squeeze %dma_wait3A_158 : memref<1x128x32xf32, #tpu.memory_space<vmem>> -> memref<128x32xf32, #tpu.memory_space<vmem>>
    tpu.wait_dma2 semaphore(%arg8 : memref<!tpu.dma_semaphore, #tpu.memory_space<semaphore_mem>>) src(%dma_wait3A_159 : memref<128x32xf32, #tpu.memory_space<vmem>>) dst(%dma_wait3A_155 : memref<128x32xf32, #tpu.memory_space<hbm>>)
    %dma_wait3A_160 = arith.constant 7 : i32
    %dma_wait3A_161 = arith.constant 0 : i32
    %dma_wait3A_162 = arith.constant 0 : i32
    %dma_wait3A_163 = tpu.memref_slice %arg6[%dma_wait3A_160, %dma_wait3A_161, %dma_wait3A_162] : memref<8x128x32xf32, #tpu.memory_space<vmem>> -> memref<1x128x32xf32, #tpu.memory_space<vmem>>
    %dma_wait3A_164 = tpu.memref_squeeze %dma_wait3A_163 : memref<1x128x32xf32, #tpu.memory_space<vmem>> -> memref<128x32xf32, #tpu.memory_space<vmem>>
    %dma_wait3A_165 = arith.constant 0 : i32
    %dma_wait3A_166 = arith.constant 0 : i32
    %dma_wait3A_167 = tpu.memref_slice %arg4[%dma_wait3A_165, %dma_wait3A_166] : memref<819200x32xf32, #tpu.memory_space<hbm>> -> memref<128x32xf32, #tpu.memory_space<hbm>>
    %dma_wait3A_168 = arith.constant 0 : i32
    %dma_wait3A_169 = arith.constant 0 : i32
    %dma_wait3A_170 = tpu.memref_slice %arg4[%dma_wait3A_168, %dma_wait3A_169] : memref<819200x32xf32, #tpu.memory_space<hbm>> -> memref<128x32xf32, #tpu.memory_space<hbm>>
    %dma_wait3A_171 = arith.constant 0 : i32
    %dma_wait3A_172 = arith.constant 0 : i32
    %dma_wait3A_173 = tpu.memref_slice %arg6[%dma_wait3A_160, %dma_wait3A_171, %dma_wait3A_172] : memref<8x128x32xf32, #tpu.memory_space<vmem>> -> memref<1x128x32xf32, #tpu.memory_space<vmem>>
    %dma_wait3A_174 = tpu.memref_squeeze %dma_wait3A_173 : memref<1x128x32xf32, #tpu.memory_space<vmem>> -> memref<128x32xf32, #tpu.memory_space<vmem>>
    tpu.wait_dma2 semaphore(%arg8 : memref<!tpu.dma_semaphore, #tpu.memory_space<semaphore_mem>>) src(%dma_wait3A_174 : memref<128x32xf32, #tpu.memory_space<vmem>>) dst(%dma_wait3A_170 : memref<128x32xf32, #tpu.memory_space<hbm>>)
    return
  }
}

</mosaic_0001>

<sc_bundles>
// kernel: kernel.3.cloned.1.call-start
scs
__scs_entry_jumppad:
0x0: {  	(pc) =	sbr.rel $0x88, $3  }
0x1: {  	(tag) =	ssettag $0x0;
	lr =	simm.s32 $0x1  }
0x2: {  	[smem:$0x3F9F] =	sst lr;
	_ =	strace $0xD0000000  }
0x3: {  	_ = 	snop  }
0x4: {  	_ = 	snop  }
0x5: {  	_ = 	snop  }
0x6: {  	_ = 	snop  }
0x7: {  	_ = 	snop  }
__scs_overlays_trampoline_lowered:
0x8: {  	[smem:$0x3FAE] =	sst s0  }
0x9: {  	[smem:$0x3FAF] =	sst s1  }
0xa: {  	[smem:$0x3FB0] =	sst s2  }
0xb: {  	[smem:$0x3FB1] =	sst s3  }
0xc: {  	[smem:$0x3FB2] =	sst s4  }
0xd: {  	[smem:$0x3FB3] =	sst s5  }
0xe: {  	[smem:$0x3FB4] =	sst s6  }
0xf: {  	[smem:$0x3FB5] =	sst s7  }
0x10: {  	[smem:$0x3FB6] =	sst s8  }
0x11: {  	[smem:$0x3FB7] =	sst s9;
	s0 =	simm.s32 @!p0 $0x0  }
0x12: {  	s1 =	sld [smem:$0x3F9D];
	s0 =	simm.s32 @p0 $0x1  }
0x13: {  	[smem:$0x3FB8] =	sst s0;
	s0 =	simm.s32 @!p1 $0x0  }
0x14: {  	s2 =	sld [smem:$0x3F9C];
	s0 =	simm.s32 @p1 $0x1  }
0x15: {  	[smem:$0x3FB9] =	sst s0;
	s0 =	simm.s32 @!p2 $0x0  }
0x16: {  	s3 =	sld [smem:$0x3FDB];
	s0 =	simm.s32 @p2 $0x1  }
0x17: {  	s4 =	simm.s32 $0x1BF5;
	[smem:$0x3FBB] =	sst s0  }
0x18: {  	s0 =	sld [smem:$0x3F9E];
	_ =	swait.ge [sflag:s4], $0x0  }
0x19: {  	s7 =	sld [smem:$0x3F9F]  }
0x1a: {  	s8 =	sadd.s32 $0xFFFFE003, lr  }
0x1b: {  	s9 =	sadd.s32 $0xFFFFFEF7, lr;
	s5 =	simm.s32 $0xFFFFFFFF;
	p2 =	slt.u32 s8, $0xFFFFF086  }
0x1c: {  	p1 =	slt.u32 s9, $0xF7A;
	s5 =	simm.s32 @!p2 $0x0  }
0x1d: {  	s5 =	simm.s32 @p1 $0x1;
	p0 =	seq.s32 s7, s2  }
0x1e: {  	s7 =	smul.u32 @!p0 $0xF7A, s2;
	p2 =	seq.s32 @!p0 s5, $0x0  }
0x1f: {  	s9 =	smul.u32 $0xF7A, s1;
	s8 =	simm.s32 @!p0 $0x1BF5;
	p2 =	por !p2, p0  }
0x20: {  	[sflag:s8] =	ssyncset.s32 @!p0 $0xFFFFF086;
	s6 =	sadd.s32 @!p0 s3, s7;
	s7 =	simm.s32 @!p0 $0x108  }
0x21: {  	s3 =	sadd.s32 s3, s9;
	s6 =	sadd.s32 @!p0 $0x88, s6;
	s7 =	simm.s32 @p2 $0x1082  }
0x22: {  	[simem:s7], [sflag:s8] =	dma.local @!p0 [hbm:s6], $0xF7A  }
0x23: {  	s9 =	sor.u32 $0xD0000000, s2;
	s6 =	simm.s32 $0x108;
	_ =	swait.ge @!p0 [sflag:s8], $0x0  }
0x24: {  	s3 =	sadd.s32 $0x88, s3;
	s6 =	simm.s32 @!p1 $0x1082;
	[sflag:s4] =	ssyncset.s32 $0xFFFFF086  }
0x25: {  	[simem:s6], [sflag:s4] =	dma.local [hbm:s3], $0xF7A  }
0x26: {  	[smem:$0x3F9F] =	sst s1;
	(tag) =	ssettag s2;
	_ =	strace s9  }
0x27: {  	s1 =	sld [smem:$0x3FAF]  }
0x28: {  	s2 =	sld [smem:$0x3FB0]  }
0x29: {  	s4 =	sld [smem:$0x3FB2]  }
0x2a: {  	p0 =	seq.s32 s5, $0x0;
	s5 =	sld [smem:$0x3FB3]  }
0x2b: {  	s6 =	sld [smem:$0x3FB4]  }
0x2c: {  	s7 =	sld [smem:$0x3FB5]  }
0x2d: {  	s3 =	simm.s32 $0x108;
	s8 =	sld [smem:$0x3FB6]  }
0x2e: {  	s3 =	simm.s32 @!p0 $0x1082;
	s9 =	sld [smem:$0x3FB7]  }
0x2f: {  	lr =	sadd.s32 s0, s3;
	s0 =	sld [smem:$0x3FAE]  }
0x30: {  	s3 =	sld [smem:$0x3FB1]  }
0x31: {  	[smem:$0x3FBA] =	sst s10  }
0x32: {  	s10 =	sld [smem:$0x3FB8];
	_ =	sdelay $0x3  }
0x33: {  	p0 =	seq.s32 s10, $0x1;
	s10 =	sld [smem:$0x3FBA];
	_ =	sdelay $0x3  }
0x34: {  	[smem:$0x3FBA] =	sst s10  }
0x35: {  	s10 =	sld [smem:$0x3FB9];
	_ =	sdelay $0x3  }
0x36: {  	p1 =	seq.s32 s10, $0x1;
	s10 =	sld [smem:$0x3FBA];
	_ =	sdelay $0x3  }
0x37: {  	[smem:$0x3FBA] =	sst s10  }
0x38: {  	s10 =	sld [smem:$0x3FBB]  }
0x39: {  	_ = 	snop;
	(pc) =	sbr.ind lr, $3  }
0x3a: {  	_ = 	snop  }
0x3b: {  	_ = 	snop  }
0x3c: {  	p2 =	seq.s32 s10, $0x1;
	s10 =	sld [smem:$0x3FBA]  }
0x3d: {  	_ =	shalt  }
0x3e: {  	_ =	shalt  }
0x3f: {  	_ =	shalt  }
0x40: {  	_ =	shalt  }
0x41: {  	_ =	shalt  }
0x42: {  	_ =	shalt  }
0x43: {  	_ =	shalt  }
0x44: {  	_ =	shalt  }
0x45: {  	_ =	shalt  }
0x46: {  	_ =	shalt  }
0x47: {  	_ =	shalt  }
0x48: {  	_ =	shalt  }
0x49: {  	_ =	shalt  }
0x4a: {  	_ =	shalt  }
0x4b: {  	_ =	shalt  }
0x4c: {  	_ =	shalt  }
0x4d: {  	_ =	shalt  }
0x4e: {  	_ =	shalt  }
0x4f: {  	_ =	shalt  }
0x50: {  	_ =	shalt  }
0x51: {  	_ =	shalt  }
0x52: {  	_ =	shalt  }
0x53: {  	_ =	shalt  }
0x54: {  	_ =	shalt  }
0x55: {  	_ =	shalt  }
0x56: {  	_ =	shalt  }
0x57: {  	_ =	shalt  }
0x58: {  	_ =	shalt  }
0x59: {  	_ =	shalt  }
0x5a: {  	_ =	shalt  }
0x5b: {  	_ =	shalt  }
0x5c: {  	_ =	shalt  }
0x5d: {  	_ =	shalt  }
0x5e: {  	_ =	shalt  }
0x5f: {  	_ =	shalt  }
0x60: {  	_ =	shalt  }
0x61: {  	_ =	shalt  }
0x62: {  	_ =	shalt  }
0x63: {  	_ =	shalt  }
0x64: {  	_ =	shalt  }
0x65: {  	_ =	shalt  }
0x66: {  	_ =	shalt  }
0x67: {  	_ =	shalt  }
0x68: {  	_ =	shalt  }
0x69: {  	_ =	shalt  }
0x6a: {  	_ =	shalt  }
0x6b: {  	_ =	shalt  }
0x6c: {  	_ =	shalt  }
0x6d: {  	_ =	shalt  }
0x6e: {  	_ =	shalt  }
0x6f: {  	_ =	shalt  }
0x70: {  	_ =	shalt  }
0x71: {  	_ =	shalt  }
0x72: {  	_ =	shalt  }
0x73: {  	_ =	shalt  }
0x74: {  	_ =	shalt  }
0x75: {  	_ =	shalt  }
0x76: {  	_ =	shalt  }
0x77: {  	_ =	shalt  }
0x78: {  	_ =	shalt  }
0x79: {  	_ =	shalt  }
0x7a: {  	_ =	shalt  }
0x7b: {  	_ =	shalt  }
0x7c: {  	_ =	shalt  }
0x7d: {  	_ =	shalt  }
0x7e: {  	_ =	shalt  }
0x7f: {  	_ =	shalt  }
0x80: {  	_ =	shalt  }
0x81: {  	_ =	shalt  }
0x82: {  	_ =	shalt  }
0x83: {  	_ =	shalt  }
0x84: {  	_ =	shalt  }
0x85: {  	_ =	shalt  }
0x86: {  	_ =	shalt  }
0x87: {  	_ =	shalt  }
.Lfunc_end0:
.L_simem_size_0:
called_computation_lowered:
.L_overlay_start_0:
0x88: {  	s2 =	sld [smem:$0x3FD9]  }
0x89: {  	s3 =	sld [smem:$0x3FFE];
	_ =	sdelay $0x1  }
0x8a: {  	s1 =	srdreg.scid  }
0x8b: {  	s0 =	sand.u32 $0x1, s1  }
0x8c: {  	s17 =	sshll.u32 s0, $0xA;
	s2 =	sadd.s32 s3, s2  }
0x8d: {  	s2 =	sadd.s32 s2, s17  }
0x8e: {  	[smem:$0x3FC6] =	sst s2  }
0x8f: {  	_ = 	snop  }
0x90: {  	s2 =	sld [smem:$0x3FD0];
	(tm) =	ssettm $0x1  }
0x91: {  	s18 =	sld [smem:$0x3FFB];
	_ =	sdelay $0x3  }
0x92: {  	_ =	strace s18  }
0x93: {  	s3 =	sld [smem:$0x3FFC];
	_ =	sdelay $0x3  }
0x94: {  	_ =	strace s3  }
0x95: {  	s3 =	sld [smem:$0x3FFD];
	_ =	sdelay $0x3  }
0x96: {  	_ =	strace s3  }
0x97: {  	_ =	strace $0x8FFFFFFF  }
0x98: {  	s19 =	sld [smem:$0x3FDB];
	_ =	sdelay $0x1  }
0x99: {  	s4 =	simm.s32 $_scs_section_size  }
0x9a: {  	s5 =	simm.s32 $_size__tile_overlayer_lowered;
	s6 =	simm.s32 $_tile_overlayer_lowered  }
0x9b: {  	s22 =	simm.s32 $0x1BFF;
	s21 =	sshll.u32 s6, $0x1;
	s3 =	sadd.s32 s4, s19  }
0x9c: {  	s7 =	simm.s32 $0x0;
	s20 =	sshll.u32 s5, $0x1;
	s5 =	sadd.s32 s21, s3  }
0x9d: {  	[timem:s7], [sflag:s22] =	dma.local [hbm:s5], s20  }
0x9e: {  	_ =	swait.ge [sflag:s22], s20  }
0x9f: {  	s4 =	ssub.s32 $0x0, s20;
	[sflag:s22] =	ssyncset.done $0x0  }
0xa0: {  	[sflag:s22] =	ssyncadd.s32 s4;
	_ =	sdelay $0x1  }
0xa1: {  	s23 =	simm.s32 $0x1B8B  }
0xa2: {  	_ =	swait.ge [sflag:s23], $0x1  }
0xa3: {  	[sflag:s23] =	ssyncset.done $0x0  }
0xa4: {  	s25 =	simm.s32 $0x1B8E;
	s24 =	sld [smem:$0x3FFE];
	[sflag:s23] =	ssyncadd.s32 $0xFFFFFFFF  }
0xa5: {  	s26 =	simm.s32 $execute0_lowered;
	[smem:$0x3FD2] =	sst s25  }
0xa6: {  	s5 =	sshll.u32 s26, $0x1;
	_ =	strace $0x80000046;
	[dreg:$0x1] =	wrdreg $0xFFFFFFFF  }
0xa7: {  	s28 =	simm.s32 $_size_execute0_lowered;
	s3 =	sadd.s32 s3, s5;
	[dreg:$0x0] =	wrdreg $0x0  }
0xa8: {  	s5 =	sshll.u32 s28, $0x1;
	[dreg:$0x2] =	wrdreg s3  }
0xa9: {  	[dreg:$0x3] =	wrdreg s5  }
0xaa: {  	[dreg:$0x4] =	wrdreg $0xC0  }
0xab: {  	_ =	task [dreg:s7], $0x5FFFF  }
0xac: {  	[dreg:$0x1] =	wrdreg $0xFFFFFFFF  }
0xad: {  	[dreg:$0x0] =	wrdreg $0x60  }
0xae: {  	[dreg:$0x2] =	wrdreg s24  }
0xaf: {  	[dreg:$0x3] =	wrdreg s2  }
0xb0: {  	[dreg:$0x4] =	wrdreg $0x9  }
0xb1: {  	_ =	task.clear_ibuf [dreg:s7], $0x5FFFF;
	_ =	strace $0x90000046  }
0xb2: {  	s29 =	simm.s32 $0x9;
	_ =	strace $0x80000048  }
0xb3: {  	_ =	swait.ge [sflag:s29], $0x1  }
0xb4: {  	[sflag:s29] =	ssyncadd.s32 $0xFFFFFFFF  }
0xb5: {  	_ =	strace $0x90000048  }
0xb6: {  	_ =	sfence  }
0xb7: {  	s30 =	sld [smem:$0x0];
	_ =	sdelay $0x2  }
0xb8: {  	s31 =	sshll.u32 s1, $0xD;
	s1 =	sshrl.u32 s1, $0x2  }
0xb9: {  	s3 =	sand.u32 $0x4000, s31;
	s1 =	sadd.s32 s1, s30  }
0xba: {  	s0 =	sor.u32 s3, s0;
	s1 =	sshll.u32 s1, $0x11  }
0xbb: {  	s0 =	sor.u32 s1, s0  }
0xbc: {  	s0 =	sadd.s32 $0x8F2B, s0  }
0xbd: {  	[sflag:s0] =	ssyncadd.remote.s32 $0x1  }
0xbe: {  	_ =	sfence.sel $0xFFFF  }
0xbf: {  	[dreg:$0x0] =	wrdreg $0xFFFFFFFF;
	(pc) =	sbr.abs _section_cstart, $3  }
0xc0: {  	[dreg:$0x1] =	wrdreg $0xFFFFFFFF  }
0xc1: {  	_ =	task.clear_ibuf [dreg:s7], $0x2FFFF;
	_ =	strace $0x9FFFFFFF  }
0xc2: {  	(tm) =	ssettm $0x7FFFFFFF  }
0xc3: {  	_ =	shalt  }
tec
execute0_lowered:
.L_overlay_start_1:
0x0: {  	(tag) =	ssettag $0x1  }
0x1: {  	s0 =	rddreg [dreg:$0x0]  }
0x2: {  	s1 =	srdreg.scid;
	s8 =	stileid.u32  }
0x3: {  	s2 =	rddreg [dreg:$0x1];
	s3 =	simm.s32 $0x0;
	s11 =	simm.s32 $0x3  }
0x4: {  	s12 =	simm.s32 $0x80;
	s13 =	simm.s32 $0x6400;
	s14 =	simm.s32 $0x7400  }
0x5: {  	s16 =	simm.s32 $0x8400;
	s18 =	simm.s32 $0x9400;
	s19 =	simm.s32 $0x1  }
0x6: {  	s23 =	simm.s32 $0xB400;
	s24 =	simm.s32 $0x300;
	s25 =	simm.s32 $0xC400  }
0x7: {  	s26 =	simm.s32 $0x380;
	s1 =	sand.u32 $0x1, s1;
	s4 =	sshll.u32 s8, $0x1  }
0x8: {  	s28 =	simm.s32 $0xD400;
	s8 =	smul.u32 $0x32000, s8;
	s4 =	sor.u32 s1, s4  }
0x9: {  	s29 =	simm.s32 $0x2;
	s30 =	simm.s32 $0x0;
	s5 =	smul.u32 $0xC80, s4  }
0xa: {  	[smem:$0x7FF] =	sst s3;
	s6 =	ssub.s32 $0x2, s1;
	s1 =	smul.u32 $0x19000, s1  }
0xb: {  	s7 =	smul.u32 $0x19000, s4;
	s31 =	sshrl.u32 s6, $0x1;
	s5 =	sadd.s32 s5, s0  }
0xc: {  	s6 =	ssub.s32 s6, s31;
	s0 =	sadd.s32 $0x19600, s0;
	s4 =	sadd.s32 $0x600, s5  }
0xd: {  	s5 =	smax.u32 s6, $0x1;
	s6 =	sadd.s32 s0, s7;
	s0 =	sadd.s32 s8, s0  }
0xe: {  	_ =	strace $0x80000047;
	s7 =	sadd.s32 $0x200, s6;
	s0 =	sadd.s32 s1, s0  }
0xf: {  	s8 =	sadd.s32 $0x400, s6;
	s9 =	sadd.s32 $0x600, s6;
	s10 =	sadd.s32 $0x800, s0  }
.LBB2_1:
0x10: {  	[tilespmem:s3], [sflag:$0x3] =	stream.linear.gather [hbm4b:s4+s3], $0x6400, $0x38;
	[tilespmem:$0xE400] =	vst v63  }
0x11: {  	_ =	swait.ge [sflag:s11], $0x6400  }
0x12: {  	[sflag:s11] =	ssyncset.done $0x0  }
0x13: {  	[sflag:s11] =	ssyncadd.s32 $0xFFFF9C00  }
0x14: {  	[tilespmem:s13], [sflag:$0x1] =	stream.indirect.gather [hbm4b:s2+s12], $0x20, s3, s12, $0xb8;
	[tilespmem:$0xE400] =	vst v63  }
0x15: {  	_ = 	snop  }
0x16: {  	[tilespmem:s14], [sflag:$0x1] =	stream.indirect.gather [hbm4b:s2+s12], $0x20, s12, s12, $0xb8;
	[tilespmem:$0xE400] =	vst v63  }
0x17: {  	s0 =	simm.s32 $0x100  }
0x18: {  	[tilespmem:s16], [sflag:$0x1] =	stream.indirect.gather [hbm4b:s2+s12], $0x20, s0, s12, $0xb8;
	[tilespmem:$0xE400] =	vst v63  }
0x19: {  	s17 =	simm.s32 $0x180  }
0x1a: {  	[tilespmem:s18], [sflag:$0x1] =	stream.indirect.gather [hbm4b:s2+s12], $0x20, s17, s12, $0xb8;
	[tilespmem:$0xE400] =	vst v63  }
0x1b: {  	_ =	swait.ge [sflag:s19], $0x1000  }
0x1c: {  	[sflag:s19] =	ssyncset.done $0x0  }
0x1d: {  	[sflag:s19] =	ssyncadd.s32 $0xFFFFF000  }
0x1e: {  	[hbm4b:s6+s3] =	stream.linear.scatter [tilespmem:s13], [sflag:$0x2], $0x1000, $0x38;
	[tilespmem:$0xE400] =	vst v63  }
0x1f: {  	s20 =	simm.s32 $0x200;
	s1 =	simm.s32 $0xA400  }
0x20: {  	[tilespmem:s1], [sflag:$0x1] =	stream.indirect.gather [hbm4b:s2+s12], $0x20, s20, s12, $0xb8;
	[tilespmem:$0xE400] =	vst v63  }
0x21: {  	_ =	swait.ge [sflag:s19], $0x1000  }
0x22: {  	[sflag:s19] =	ssyncset.done $0x0  }
0x23: {  	[sflag:s19] =	ssyncadd.s32 $0xFFFFF000  }
0x24: {  	[hbm4b:s7+s3] =	stream.linear.scatter [tilespmem:s14], [sflag:$0x2], $0x1000, $0x38;
	[tilespmem:$0xE400] =	vst v63  }
0x25: {  	s21 =	simm.s32 $0x280  }
0x26: {  	[tilespmem:s23], [sflag:$0x1] =	stream.indirect.gather [hbm4b:s2+s12], $0x20, s21, s12, $0xb8;
	[tilespmem:$0xE400] =	vst v63  }
0x27: {  	_ =	swait.ge [sflag:s19], $0x1000  }
0x28: {  	[sflag:s19] =	ssyncset.done $0x0  }
0x29: {  	[sflag:s19] =	ssyncadd.s32 $0xFFFFF000  }
0x2a: {  	[hbm4b:s8+s3] =	stream.linear.scatter [tilespmem:s16], [sflag:$0x2], $0x1000, $0x38;
	[tilespmem:$0xE400] =	vst v63  }
0x2b: {  	_ = 	snop  }
0x2c: {  	[tilespmem:s25], [sflag:$0x1] =	stream.indirect.gather [hbm4b:s2+s12], $0x20, s24, s12, $0xb8;
	[tilespmem:$0xE400] =	vst v63  }
0x2d: {  	_ =	swait.ge [sflag:s19], $0x1000  }
0x2e: {  	s22 =	simm.s32 $0x10000;
	[sflag:s19] =	ssyncset.done $0x0  }
0x2f: {  	s15 =	sand.u32 $0x1C000, s22;
	[sflag:s19] =	ssyncadd.s32 $0xFFFFF000  }
0x30: {  	[hbm4b:s9+s3] =	stream.linear.scatter [tilespmem:s18], [sflag:$0x2], $0x1000, $0x38;
	[tilespmem:$0xE400] =	vst v63  }
0x31: {  	s31 =	simm.s32 $0x20000;
	p0 =	por $0x0, $0x0;
	s15 =	sshrl.u32 s15, $0x2  }
0x32: {  	[tilespmem:s28], [sflag:$0x1] =	stream.indirect.gather [hbm4b:s2+s12], $0x20, s26, s12, $0xb8;
	[tilespmem:$0xE400] =	vst v63  }
0x33: {  	s22 =	simm.s32 @!p0 $0x80;
	s15 =	sadd.s32 $0x6400, s15;
	_ =	swait.ge [sflag:s19], $0x1000  }
0x34: {  	s0 =	simm.s32 $0x5;
	s17 =	sand.u32 @!p0 $0x1C000, s31;
	[sflag:s19] =	ssyncset.done $0x0  }
0x35: {  	s1 =	simm.s32 $0x400;
	s20 =	simm.s32 @!p0 $0x2;
	[sflag:s19] =	ssyncadd.s32 $0xFFFFF000  }
0x36: {  	[hbm4b:s10+s3] =	stream.linear.scatter [tilespmem:s15], [sflag:$0x2], $0x1000, $0x38;
	[tilespmem:$0xE400] =	vst v63  }
0x37: {  	s21 =	sshrl.u32 @!p0 s17, $0x2;
	s17 =	simm.s32 $0x480;
	_ =	swait.ge @!p0 [sflag:s20], $0x1000  }
0x38: {  	s21 =	sadd.s32 @!p0 $0x6400, s21;
	s15 =	sadd.s32 $0x200, s10;
	[sflag:s20] =	ssyncset.done @!p0 $0x0  }
.LBB2_2:
0x39: {  	[sflag:s20] =	ssyncadd.s32 @!p0 $0xFFFFF000  }
0x3a: {  	s31 =	sadd.s32 $0x4000, s31;
	s20 =	smov.u32 s0;
	s0 =	sadd.s32 $0x1, s0  }
0x3b: {  	[tilespmem:s21], [sflag:$0x1] =	stream.indirect.gather @!p0 [hbm4b:s2+s22], $0x20, s1, s22, $0xb8;
	[tilespmem:$0xE400] =	vst v63  }
0x3c: {  	p1 =	sne.s32 s0, $0xC8;
	s1 =	smov.u32 s17  }
0x3d: {  	s21 =	sadd.s32 $0xFFFF0000, s31  }
0x3e: {  	s21 =	sand.u32 $0x1C000, s21;
	_ =	swait.ge [sflag:s19], $0x1000  }
0x3f: {  	p0 =	sgt.u32 s20, $0xC3;
	s21 =	sshrl.u32 s21, $0x2;
	[sflag:s19] =	ssyncset.done $0x0  }
.Ltmp0:
0x40: {  	s21 =	sadd.s32 $0x6400, s21;
	[sflag:s19] =	ssyncadd.s32 $0xFFFFF000;
	(pc) =	sbr.rel @p1 .LBB2_2-.Ltmp0, $4  }
0x41: {  	[hbm4b:s15+s3] =	stream.linear.scatter [tilespmem:s21], [sflag:$0x2], $0x1000, $0x38;
	[tilespmem:$0xE400] =	vst v63  }
0x42: {  	s20 =	simm.s32 @!p0 $0x2;
	s21 =	sand.u32 @!p0 $0x1C000, s31;
	s15 =	sadd.s32 $0x200, s15  }
0x43: {  	s17 =	sadd.s32 $0x80, s17;
	s21 =	sshrl.u32 @!p0 s21, $0x2;
	_ =	swait.ge @!p0 [sflag:s20], $0x1000  }
0x44: {  	s22 =	simm.s32 @!p0 $0x80;
	s21 =	sadd.s32 @!p0 $0x6400, s21;
	[sflag:s20] =	ssyncset.done @!p0 $0x0  }
0x45: {  	[sflag:s20] =	ssyncadd.s32 @!p0 $0xFFFFF000  }
0x46: {  	[tilespmem:s21], [sflag:$0x1] =	stream.indirect.gather @!p0 [hbm4b:s2+s22], $0x20, s1, s22, $0xb8;
	[tilespmem:$0xE400] =	vst v63  }
0x47: {  	_ =	swait.ge [sflag:s29], $0x1000  }
0x48: {  	[sflag:s29] =	ssyncset.done $0x0  }
0x49: {  	[sflag:s29] =	ssyncadd.s32 $0xFFFFF000  }
0x4a: {  	_ =	swait.ge [sflag:s29], $0x1000  }
0x4b: {  	[sflag:s29] =	ssyncset.done $0x0  }
0x4c: {  	[sflag:s29] =	ssyncadd.s32 $0xFFFFF000  }
0x4d: {  	_ =	swait.ge [sflag:s29], $0x1000  }
0x4e: {  	[sflag:s29] =	ssyncset.done $0x0  }
0x4f: {  	[sflag:s29] =	ssyncadd.s32 $0xFFFFF000  }
0x50: {  	_ =	swait.ge [sflag:s29], $0x1000  }
0x51: {  	[sflag:s29] =	ssyncset.done $0x0  }
0x52: {  	[sflag:s29] =	ssyncadd.s32 $0xFFFFF000  }
0x53: {  	_ =	swait.ge [sflag:s29], $0x1000  }
0x54: {  	[sflag:s29] =	ssyncset.done $0x0  }
0x55: {  	[sflag:s29] =	ssyncadd.s32 $0xFFFFF000  }
0x56: {  	_ =	swait.ge [sflag:s29], $0x1000  }
0x57: {  	[sflag:s29] =	ssyncset.done $0x0  }
0x58: {  	s30 =	sadd.s32 $0x1, s30;
	[sflag:s29] =	ssyncadd.s32 $0xFFFFF000  }
0x59: {  	p0 =	sne.s32 s30, s5;
	_ =	swait.ge [sflag:s29], $0x1000  }
.Ltmp1:
0x5a: {  	[sflag:s29] =	ssyncset.done $0x0;
	(pc) =	sbr.rel @p0 .LBB2_1-.Ltmp1, $4  }
0x5b: {  	[sflag:s29] =	ssyncadd.s32 $0xFFFFF000  }
0x5c: {  	_ =	swait.ge [sflag:s29], $0x1000  }
0x5d: {  	[sflag:s29] =	ssyncset.done $0x0  }
0x5e: {  	[sflag:s29] =	ssyncadd.s32 $0xFFFFF000  }
0x5f: {  	_ =	sfence.sel $0x180000  }
0x60: {  	[bflag:$0x0] =	sbarrier.arrive $0xFFFF  }
0x61: {  	_ =	strace $0x90000047  }
0x62: {  	s0 =	stileid.u32;
	[bflag:$0x2] =	sbarrier.arrive $0xFFFF  }
0x63: {  	p0 =	sne.s32 s0, $0x0;
	s0 =	rddreg [dreg:$0x2]  }
0x64: {  	s0 =	sadd.s32 @!p0 $0x100000, s0  }
0x65: {  	[sflag:s0] =	ssyncadd.tile.s32 @!p0 $0x1;
	_ =	shalt  }
.Lfunc_end2:
_tile_overlayer_lowered:
.L_overlay_start_2:
0x66: {  	(tag) =	ssettag $0x2  }
0x67: {  	s0 =	rddreg [dreg:$0x0];
	s2 =	stileid.u32  }
0x68: {  	s1 =	rddreg [dreg:$0x1];
	p0 =	sne.s32 s2, $0x0  }
0x69: {  	s3 =	rddreg [dreg:$0x2];
	[bflag:$0x3] =	sbarrier.arrive $0xFFFF;
	s2 =	simm.s32 @!p0 $0x1C03  }
0x6a: {  	[timem:s3], [sflag:s2] =	dma.local @!p0 [hbm:s0], s1  }
0x6b: {  	s0 =	simm.s32 @!p0 $0x3  }
0x6c: {  	_ =	swait.ge @!p0 [sflag:s0], s1  }
0x6d: {  	s1 =	ssub.s32 @!p0 $0x0, s1;
	[sflag:s0] =	ssyncset.done @!p0 $0x0  }
0x6e: {  	[sflag:s0] =	ssyncadd.s32 @!p0 s1  }
0x6f: {  	[bflag:$0x3] =	sbarrier.arrive $0xFFFF  }
0x70: {  	_ =	shalt  }

</sc_bundles>
